<compile_context>
chip_gen: v7x
topology: tpu7x:2x2x1
jax: 0.10.2.dev20260603
libtpu: 0.0.44.dev20260713+nightly
codegen_flags: <defaults>
</compile_context>

<pallas_src>
import functools

import jax
import jax.numpy as jnp
from jax import lax
from jax.experimental import pallas as pl
from jax.experimental.pallas import tpu as pltpu
from jax.experimental.pallas import tpu_sc as plsc

_NC = 2
_NS = 16
_NW = _NC * _NS
_L = 16


def _quant_body(x_hbm, params_hbm, grid_hbm, out_hbm, xbuf, obuf, gbuf, pbuf,
                *, chunk):
    wid = lax.axis_index("s") * _NC + lax.axis_index("c")
    base = wid * chunk
    pltpu.sync_copy(grid_hbm, gbuf)
    pltpu.sync_copy(params_hbm, pbuf)
    pltpu.sync_copy(x_hbm.at[pl.ds(base, chunk)], xbuf)
    a = pbuf[0, :]
    b = pbuf[1, :]
    al = pbuf[2, :]
    zero = jnp.zeros((_L,), jnp.float32)
    lim = jnp.full((_L,), 255.0, jnp.float32)
    half = jnp.full((_L,), 0.5, jnp.float32)

    def body(i, carry):
        off = i * _L
        v = xbuf[pl.ds(off, _L)]
        t = v * a + b
        t = jnp.minimum(jnp.maximum(t, zero), lim)
        idx = (t + half).astype(jnp.int32)
        deq = plsc.load_gather(gbuf, [idx])
        obuf[pl.ds(off, _L)] = deq * al
        return carry

    lax.fori_loop(0, chunk // _L, body, 0)
    pltpu.sync_copy(obuf, out_hbm.at[pl.ds(base, chunk)])


def kernel(x, alpha, quant_grid):
    shape = x.shape
    n = x.size
    chunk = n // _NW
    assert n % (_NW * _L) == 0 and chunk % 8 == 0
    xf = x.reshape(n)

    g0 = quant_grid[0]
    glast = quant_grid[quant_grid.shape[0] - 1]
    step = (glast - g0) / jnp.float32(quant_grid.shape[0] - 1)
    inv_step = jnp.float32(1.0) / step
    a = inv_step / alpha
    b = -g0 * inv_step
    params = jnp.stack([
        jnp.broadcast_to(a, (_L,)),
        jnp.broadcast_to(b, (_L,)),
        jnp.broadcast_to(alpha, (_L,)),
    ]).astype(jnp.float32)

    mesh = plsc.VectorSubcoreMesh(core_axis_name="c", subcore_axis_name="s")
    fn = functools.partial(
        pl.kernel,
        mesh=mesh,
        compiler_params=pltpu.CompilerParams(needs_layout_passes=False),
        out_type=jax.ShapeDtypeStruct((n,), jnp.float32),
        scratch_types=[
            pltpu.VMEM((chunk,), jnp.float32),
            pltpu.VMEM((chunk,), jnp.float32),
            pltpu.VMEM((quant_grid.shape[0],), jnp.float32),
            pltpu.VMEM((3, _L), jnp.float32),
        ],
    )(functools.partial(_quant_body, chunk=chunk))
    out = fn(xf, params, quant_grid.astype(jnp.float32))
    return out.reshape(shape)

# --- scband reference (transcript-rebuilt; emitter-appended) ---
"""Pipeline reference for scband-quantizer-16793322127964 (READ-ONLY COPY).

The authoritative reference and input builder live on the scoring server;
editing this copy changes nothing except your own understanding.
"""

import jax, jax.numpy as jnp
import numpy as np


def _int_grid(bit=8, signed=True):
    # Faithful port of Quantizer.int_value() + convert_tensor() for q_type='int'
    B = bit - 1 if signed else bit
    values = [0.0]
    for i in range(1, 2 ** B):
        values.append(float(i))
        if signed:
            values.append(float(-i))
    if signed:
        values.append(float(-(2 ** B)))
    v = np.asarray(values, dtype=np.float32)
    assert v.shape[0] == 2 ** bit
    v = np.sort(v)
    v = v * (10.0 / np.max(v))
    return jnp.asarray(v, dtype=jnp.float32)


def setup_inputs(seed: int = 0) -> dict:
    key = jax.random.key(seed)
    kx = jax.random.fold_in(key, 1)
    x = jax.random.normal(kx, (4, 196, 384), dtype=jnp.float32)
    alpha = jnp.asarray(1.0, dtype=jnp.float32)  # nn.Parameter alpha
    quant_grid = _int_grid(bit=8, signed=True)   # registered buffer, 2**8 levels
    return {"x": x, "alpha": alpha, "quant_grid": quant_grid}


def reference(x, alpha, quant_grid):
    # Quantizer.forward: scale input by alpha, snap every element to the
    # nearest level of quant_grid (QuantBase._quantization / quant_cuda.quant),
    # then rescale back. Per-tensor quantization (is_input=True -> is_perchannel=False).
    scaled = x / alpha
    flat = scaled.reshape(-1)
    # nearest-codeword search over the 256-entry grid (compute-heavy inner loop)
    d = jnp.abs(flat[:, None] - quant_grid[None, :])
    idx = jnp.argmin(d, axis=1)
    deq = jnp.take(quant_grid, idx)
    out = deq.reshape(x.shape) * alpha
    return out

if __name__ == "__main__":
    import jax
    _d = setup_inputs()
    print(jax.jit(kernel)(*tuple(_d.values())))

</pallas_src>

<mosaic_0001>
#map = affine_map<(d0, d1) -> (0)>
#map1 = affine_map<(d0, d1) -> (0, 0)>
module attributes {stable_mosaic.version = 14 : i64} {
  func.func @_quant_body(%arg0: i32, %arg1: i32, %arg2: memref<301056xf32, #tpu.memory_space<hbm>>, %arg3: memref<3x16xf32, #tpu.memory_space<hbm>>, %arg4: memref<256xf32, #tpu.memory_space<hbm>>, %arg5: memref<301056xf32, #tpu.memory_space<hbm>>, %arg6: memref<9408xf32, #tpu.memory_space<vmem>>, %arg7: memref<9408xf32, #tpu.memory_space<vmem>>, %arg8: memref<256xf32, #tpu.memory_space<vmem>>, %arg9: memref<3x16xf32, #tpu.memory_space<vmem>>) attributes {dimension_semantics = [#tpu.dimension_semantics<core_parallel>, #tpu.dimension_semantics<subcore_parallel>], iteration_bounds = array<i64: 2, 16>, scalar_prefetch = 0 : i64, scratch_operands = 4 : i64, tpu.core_type = #tpu.core_type<sc_vector_subcore>, window_params = [{transform_indices = #map}, {transform_indices = #map1}, {transform_indices = #map}, {transform_indices = #map}]} {
    %mul3A = arith.constant 2 : i32
    %mul3A_0 = arith.muli %arg1, %mul3A : i32
    %add3A = arith.addi %mul3A_0, %arg0 : i32
    %mul3A_1 = arith.constant 9408 : i32
    %mul3A_2 = arith.muli %add3A, %mul3A_1 : i32
    "tpu.region"() ({
      %run_scoped3A = tpu.sem_alloc : memref<!tpu.dma_semaphore, #tpu.memory_space<semaphore_mem>>
      tpu.enqueue_dma source(%arg4 : memref<256xf32, #tpu.memory_space<hbm>>) target(%arg8 : memref<256xf32, #tpu.memory_space<vmem>>) target_semaphore(%run_scoped3A : memref<!tpu.dma_semaphore, #tpu.memory_space<semaphore_mem>>)
      tpu.wait_dma2 semaphore(%run_scoped3A : memref<!tpu.dma_semaphore, #tpu.memory_space<semaphore_mem>>) src(%arg4 : memref<256xf32, #tpu.memory_space<hbm>>) dst(%arg8 : memref<256xf32, #tpu.memory_space<vmem>>)
      tpu.yield
    }) : () -> ()
    "tpu.region"() ({
      %run_scoped3A = tpu.sem_alloc : memref<!tpu.dma_semaphore, #tpu.memory_space<semaphore_mem>>
      tpu.enqueue_dma source(%arg3 : memref<3x16xf32, #tpu.memory_space<hbm>>) target(%arg9 : memref<3x16xf32, #tpu.memory_space<vmem>>) target_semaphore(%run_scoped3A : memref<!tpu.dma_semaphore, #tpu.memory_space<semaphore_mem>>)
      tpu.wait_dma2 semaphore(%run_scoped3A : memref<!tpu.dma_semaphore, #tpu.memory_space<semaphore_mem>>) src(%arg3 : memref<3x16xf32, #tpu.memory_space<hbm>>) dst(%arg9 : memref<3x16xf32, #tpu.memory_space<vmem>>)
      tpu.yield
    }) : () -> ()
    "tpu.region"() ({
      %run_scoped3A = tpu.sem_alloc : memref<!tpu.dma_semaphore, #tpu.memory_space<semaphore_mem>>
      %dma_start3A = tpu.memref_slice %arg2[%mul3A_2] : memref<301056xf32, #tpu.memory_space<hbm>> -> memref<9408xf32, #tpu.memory_space<hbm>>
      %dma_start3A_24 = tpu.memref_slice %arg2[%mul3A_2] : memref<301056xf32, #tpu.memory_space<hbm>> -> memref<9408xf32, #tpu.memory_space<hbm>>
      tpu.enqueue_dma source(%dma_start3A_24 : memref<9408xf32, #tpu.memory_space<hbm>>) target(%arg6 : memref<9408xf32, #tpu.memory_space<vmem>>) target_semaphore(%run_scoped3A : memref<!tpu.dma_semaphore, #tpu.memory_space<semaphore_mem>>)
      %dma_wait3A = tpu.memref_slice %arg2[%mul3A_2] : memref<301056xf32, #tpu.memory_space<hbm>> -> memref<9408xf32, #tpu.memory_space<hbm>>
      %dma_wait3A_25 = tpu.memref_slice %arg2[%mul3A_2] : memref<301056xf32, #tpu.memory_space<hbm>> -> memref<9408xf32, #tpu.memory_space<hbm>>
      tpu.wait_dma2 semaphore(%run_scoped3A : memref<!tpu.dma_semaphore, #tpu.memory_space<semaphore_mem>>) src(%dma_wait3A_25 : memref<9408xf32, #tpu.memory_space<hbm>>) dst(%arg6 : memref<9408xf32, #tpu.memory_space<vmem>>)
      tpu.yield
    }) : () -> ()
    %get3A = arith.constant 0 : i32
    %get3A_3 = arith.index_cast %get3A : i32 to index
    %get3A_4 = arith.constant 0 : index
    %get3A_5 = tpu.vector_load %arg9[%get3A_3, %get3A_4] {strides = array<i32>} : memref<3x16xf32, #tpu.memory_space<vmem>>, vector<16xf32>,
    %get3A_6 = arith.constant 1 : i32
    %get3A_7 = arith.index_cast %get3A_6 : i32 to index
    %get3A_8 = arith.constant 0 : index
    %get3A_9 = tpu.vector_load %arg9[%get3A_7, %get3A_8] {strides = array<i32>} : memref<3x16xf32, #tpu.memory_space<vmem>>, vector<16xf32>,
    %get3A_10 = arith.constant 2 : i32
    %get3A_11 = arith.index_cast %get3A_10 : i32 to index
    %get3A_12 = arith.constant 0 : index
    %get3A_13 = tpu.vector_load %arg9[%get3A_11, %get3A_12] {strides = array<i32>} : memref<3x16xf32, #tpu.memory_space<vmem>>, vector<16xf32>,
    %broadcast_in_dim3A = arith.constant 0.000000e+00 : f32
    %broadcast_in_dim3A_14 = vector.broadcast %broadcast_in_dim3A : f32 to vector<16xf32>
    %broadcast_in_dim3A_15 = arith.constant 2.550000e+02 : f32
    %broadcast_in_dim3A_16 = vector.broadcast %broadcast_in_dim3A_15 : f32 to vector<16xf32>
    %broadcast_in_dim3A_17 = arith.constant 5.000000e-01 : f32
    %broadcast_in_dim3A_18 = vector.broadcast %broadcast_in_dim3A_17 : f32 to vector<16xf32>
    %scan3A = arith.constant 0 : i32
    %scan3A_19 = arith.constant 0 : i32
    %scan3A_20 = arith.constant 588 : i32
    %scan3A_21 = arith.addi %scan3A_19, %scan3A_20 : i32
    %scan3A_22 = arith.constant 1 : i32
    scf.for %scan3A_24 = %scan3A_19 to %scan3A_21 step %scan3A_22  : i32 {
      %mul3A_25 = arith.constant 16 : i32
      %mul3A_26 = arith.muli %scan3A_24, %mul3A_25 : i32
      %get3A_27 = arith.index_cast %mul3A_26 : i32 to index
      %get3A_28 = tpu.vector_load %arg6[%get3A_27] {strides = array<i32>} : memref<9408xf32, #tpu.memory_space<vmem>>, vector<16xf32>,
      %mul3A_29 = arith.mulf %get3A_28, %get3A_5 : vector<16xf32>
      %add3A_30 = arith.addf %mul3A_29, %get3A_9 : vector<16xf32>
      %max3A = arith.maximumf %add3A_30, %broadcast_in_dim3A_14 : vector<16xf32>
      %min3A = arith.minimumf %max3A, %broadcast_in_dim3A_16 : vector<16xf32>
      %add3A_31 = arith.addf %min3A, %broadcast_in_dim3A_18 : vector<16xf32>
      %convert_element_type3A = arith.fptosi %add3A_31 : vector<16xf32> to vector<16xi32>
      %gather3A = tpu.vector_load_idx %arg8[%convert_element_type3A] : memref<256xf32, #tpu.memory_space<vmem>>[vector<16xi32>], vector<16xf32>,
      %mul3A_32 = arith.mulf %gather3A, %get3A_13 : vector<16xf32>
      %swap3A = arith.index_cast %mul3A_26 : i32 to index
      %swap3A_33 = tpu.vector_load %arg7[%swap3A] {strides = array<i32>} : memref<9408xf32, #tpu.memory_space<vmem>>, vector<16xf32>,
      tpu.vector_store %arg7[%swap3A], %mul3A_32 {strides = array<i32>} : memref<9408xf32, #tpu.memory_space<vmem>>, vector<16xf32>,
    }
    %scan3A_23 = arith.constant 588 : i32
    "tpu.region"() ({
      %run_scoped3A = tpu.sem_alloc : memref<!tpu.dma_semaphore, #tpu.memory_space<semaphore_mem>>
      %dma_start3A = tpu.memref_slice %arg5[%mul3A_2] : memref<301056xf32, #tpu.memory_space<hbm>> -> memref<9408xf32, #tpu.memory_space<hbm>>
      %dma_start3A_24 = tpu.memref_slice %arg5[%mul3A_2] : memref<301056xf32, #tpu.memory_space<hbm>> -> memref<9408xf32, #tpu.memory_space<hbm>>
      tpu.enqueue_dma source(%arg7 : memref<9408xf32, #tpu.memory_space<vmem>>) target(%dma_start3A_24 : memref<9408xf32, #tpu.memory_space<hbm>>) target_semaphore(%run_scoped3A : memref<!tpu.dma_semaphore, #tpu.memory_space<semaphore_mem>>)
      %dma_wait3A = tpu.memref_slice %arg5[%mul3A_2] : memref<301056xf32, #tpu.memory_space<hbm>> -> memref<9408xf32, #tpu.memory_space<hbm>>
      %dma_wait3A_25 = tpu.memref_slice %arg5[%mul3A_2] : memref<301056xf32, #tpu.memory_space<hbm>> -> memref<9408xf32, #tpu.memory_space<hbm>>
      tpu.wait_dma2 semaphore(%run_scoped3A : memref<!tpu.dma_semaphore, #tpu.memory_space<semaphore_mem>>) src(%arg7 : memref<9408xf32, #tpu.memory_space<vmem>>) dst(%dma_wait3A_25 : memref<9408xf32, #tpu.memory_space<hbm>>)
      tpu.yield
    }) : () -> ()
    return
  }
}

</mosaic_0001>

<sc_bundles>
// kernel: kernel.3.cloned.1.call-start
scs
__scs_entry_jumppad:
0x0: {  	(pc) =	sbr.rel $0x88, $3  }
0x1: {  	(tag) =	ssettag $0x0;
	lr =	simm.s32 $0x1  }
0x2: {  	[smem:$0x3F9E] =	sst lr;
	_ =	strace $0xD0000000  }
0x3: {  	_ = 	snop  }
0x4: {  	_ = 	snop  }
0x5: {  	_ = 	snop  }
0x6: {  	_ = 	snop  }
0x7: {  	_ = 	snop  }
__scs_overlays_trampoline_lowered:
0x8: {  	[smem:$0x3FAD] =	sst s0  }
0x9: {  	[smem:$0x3FAE] =	sst s1  }
0xa: {  	[smem:$0x3FAF] =	sst s2  }
0xb: {  	[smem:$0x3FB0] =	sst s3  }
0xc: {  	[smem:$0x3FB1] =	sst s4  }
0xd: {  	[smem:$0x3FB2] =	sst s5  }
0xe: {  	[smem:$0x3FB3] =	sst s6  }
0xf: {  	[smem:$0x3FB4] =	sst s7  }
0x10: {  	[smem:$0x3FB5] =	sst s8  }
0x11: {  	[smem:$0x3FB6] =	sst s9;
	s0 =	simm.s32 @!p0 $0x0  }
0x12: {  	s1 =	sld [smem:$0x3F9C];
	s0 =	simm.s32 @p0 $0x1  }
0x13: {  	[smem:$0x3FB7] =	sst s0;
	s0 =	simm.s32 @!p1 $0x0  }
0x14: {  	s2 =	sld [smem:$0x3F9B];
	s0 =	simm.s32 @p1 $0x1  }
0x15: {  	[smem:$0x3FB8] =	sst s0;
	s0 =	simm.s32 @!p2 $0x0  }
0x16: {  	s3 =	sld [smem:$0x3FDB];
	s0 =	simm.s32 @p2 $0x1  }
0x17: {  	s4 =	simm.s32 $0x1BF5;
	[smem:$0x3FBA] =	sst s0  }
0x18: {  	s0 =	sld [smem:$0x3F9D];
	_ =	swait.ge [sflag:s4], $0x0  }
0x19: {  	s7 =	sld [smem:$0x3F9E]  }
0x1a: {  	s8 =	sadd.s32 $0xFFFFE003, lr  }
0x1b: {  	s9 =	sadd.s32 $0xFFFFFEF7, lr;
	s5 =	simm.s32 $0xFFFFFFFF;
	p2 =	slt.u32 s8, $0xFFFFF086  }
0x1c: {  	p1 =	slt.u32 s9, $0xF7A;
	s5 =	simm.s32 @!p2 $0x0  }
0x1d: {  	s5 =	simm.s32 @p1 $0x1;
	p0 =	seq.s32 s7, s2  }
0x1e: {  	s7 =	smul.u32 @!p0 $0xF7A, s2;
	p2 =	seq.s32 @!p0 s5, $0x0  }
0x1f: {  	s9 =	smul.u32 $0xF7A, s1;
	s8 =	simm.s32 @!p0 $0x1BF5;
	p2 =	por !p2, p0  }
0x20: {  	[sflag:s8] =	ssyncset.s32 @!p0 $0xFFFFF086;
	s6 =	sadd.s32 @!p0 s3, s7;
	s7 =	simm.s32 @!p0 $0x108  }
0x21: {  	s3 =	sadd.s32 s3, s9;
	s6 =	sadd.s32 @!p0 $0x88, s6;
	s7 =	simm.s32 @p2 $0x1082  }
0x22: {  	[simem:s7], [sflag:s8] =	dma.local @!p0 [hbm:s6], $0xF7A  }
0x23: {  	s9 =	sor.u32 $0xD0000000, s2;
	s6 =	simm.s32 $0x108;
	_ =	swait.ge @!p0 [sflag:s8], $0x0  }
0x24: {  	s3 =	sadd.s32 $0x88, s3;
	s6 =	simm.s32 @!p1 $0x1082;
	[sflag:s4] =	ssyncset.s32 $0xFFFFF086  }
0x25: {  	[simem:s6], [sflag:s4] =	dma.local [hbm:s3], $0xF7A  }
0x26: {  	[smem:$0x3F9E] =	sst s1;
	(tag) =	ssettag s2;
	_ =	strace s9  }
0x27: {  	s1 =	sld [smem:$0x3FAE]  }
0x28: {  	s2 =	sld [smem:$0x3FAF]  }
0x29: {  	s4 =	sld [smem:$0x3FB1]  }
0x2a: {  	p0 =	seq.s32 s5, $0x0;
	s5 =	sld [smem:$0x3FB2]  }
0x2b: {  	s6 =	sld [smem:$0x3FB3]  }
0x2c: {  	s7 =	sld [smem:$0x3FB4]  }
0x2d: {  	s3 =	simm.s32 $0x108;
	s8 =	sld [smem:$0x3FB5]  }
0x2e: {  	s3 =	simm.s32 @!p0 $0x1082;
	s9 =	sld [smem:$0x3FB6]  }
0x2f: {  	lr =	sadd.s32 s0, s3;
	s0 =	sld [smem:$0x3FAD]  }
0x30: {  	s3 =	sld [smem:$0x3FB0]  }
0x31: {  	[smem:$0x3FB9] =	sst s10  }
0x32: {  	s10 =	sld [smem:$0x3FB7];
	_ =	sdelay $0x3  }
0x33: {  	p0 =	seq.s32 s10, $0x1;
	s10 =	sld [smem:$0x3FB9];
	_ =	sdelay $0x3  }
0x34: {  	[smem:$0x3FB9] =	sst s10  }
0x35: {  	s10 =	sld [smem:$0x3FB8];
	_ =	sdelay $0x3  }
0x36: {  	p1 =	seq.s32 s10, $0x1;
	s10 =	sld [smem:$0x3FB9];
	_ =	sdelay $0x3  }
0x37: {  	[smem:$0x3FB9] =	sst s10  }
0x38: {  	s10 =	sld [smem:$0x3FBA]  }
0x39: {  	_ = 	snop;
	(pc) =	sbr.ind lr, $3  }
0x3a: {  	_ = 	snop  }
0x3b: {  	_ = 	snop  }
0x3c: {  	p2 =	seq.s32 s10, $0x1;
	s10 =	sld [smem:$0x3FB9]  }
0x3d: {  	_ =	shalt  }
0x3e: {  	_ =	shalt  }
0x3f: {  	_ =	shalt  }
0x40: {  	_ =	shalt  }
0x41: {  	_ =	shalt  }
0x42: {  	_ =	shalt  }
0x43: {  	_ =	shalt  }
0x44: {  	_ =	shalt  }
0x45: {  	_ =	shalt  }
0x46: {  	_ =	shalt  }
0x47: {  	_ =	shalt  }
0x48: {  	_ =	shalt  }
0x49: {  	_ =	shalt  }
0x4a: {  	_ =	shalt  }
0x4b: {  	_ =	shalt  }
0x4c: {  	_ =	shalt  }
0x4d: {  	_ =	shalt  }
0x4e: {  	_ =	shalt  }
0x4f: {  	_ =	shalt  }
0x50: {  	_ =	shalt  }
0x51: {  	_ =	shalt  }
0x52: {  	_ =	shalt  }
0x53: {  	_ =	shalt  }
0x54: {  	_ =	shalt  }
0x55: {  	_ =	shalt  }
0x56: {  	_ =	shalt  }
0x57: {  	_ =	shalt  }
0x58: {  	_ =	shalt  }
0x59: {  	_ =	shalt  }
0x5a: {  	_ =	shalt  }
0x5b: {  	_ =	shalt  }
0x5c: {  	_ =	shalt  }
0x5d: {  	_ =	shalt  }
0x5e: {  	_ =	shalt  }
0x5f: {  	_ =	shalt  }
0x60: {  	_ =	shalt  }
0x61: {  	_ =	shalt  }
0x62: {  	_ =	shalt  }
0x63: {  	_ =	shalt  }
0x64: {  	_ =	shalt  }
0x65: {  	_ =	shalt  }
0x66: {  	_ =	shalt  }
0x67: {  	_ =	shalt  }
0x68: {  	_ =	shalt  }
0x69: {  	_ =	shalt  }
0x6a: {  	_ =	shalt  }
0x6b: {  	_ =	shalt  }
0x6c: {  	_ =	shalt  }
0x6d: {  	_ =	shalt  }
0x6e: {  	_ =	shalt  }
0x6f: {  	_ =	shalt  }
0x70: {  	_ =	shalt  }
0x71: {  	_ =	shalt  }
0x72: {  	_ =	shalt  }
0x73: {  	_ =	shalt  }
0x74: {  	_ =	shalt  }
0x75: {  	_ =	shalt  }
0x76: {  	_ =	shalt  }
0x77: {  	_ =	shalt  }
0x78: {  	_ =	shalt  }
0x79: {  	_ =	shalt  }
0x7a: {  	_ =	shalt  }
0x7b: {  	_ =	shalt  }
0x7c: {  	_ =	shalt  }
0x7d: {  	_ =	shalt  }
0x7e: {  	_ =	shalt  }
0x7f: {  	_ =	shalt  }
0x80: {  	_ =	shalt  }
0x81: {  	_ =	shalt  }
0x82: {  	_ =	shalt  }
0x83: {  	_ =	shalt  }
0x84: {  	_ =	shalt  }
0x85: {  	_ =	shalt  }
0x86: {  	_ =	shalt  }
0x87: {  	_ =	shalt  }
.Lfunc_end0:
.L_simem_size_0:
called_computation_lowered:
.L_overlay_start_0:
0x88: {  	s2 =	sld [smem:$0x3FD9]  }
0x89: {  	s3 =	sld [smem:$0x3FFE];
	_ =	sdelay $0x1  }
0x8a: {  	s1 =	srdreg.scid  }
0x8b: {  	s0 =	sand.u32 $0x1, s1  }
0x8c: {  	s17 =	sshll.u32 s0, $0xA;
	s2 =	sadd.s32 s3, s2  }
0x8d: {  	s2 =	sadd.s32 s2, s17  }
0x8e: {  	[smem:$0x3FC5] =	sst s2  }
0x8f: {  	_ = 	snop  }
0x90: {  	s2 =	sld [smem:$0x3FC7]  }
0x91: {  	s18 =	sld [smem:$0x3FD0];
	(tm) =	ssettm $0x1  }
0x92: {  	s4 =	sld [smem:$0x3FFB];
	_ =	sdelay $0x3  }
0x93: {  	_ =	strace s4  }
0x94: {  	s4 =	sld [smem:$0x3FFC];
	_ =	sdelay $0x3  }
0x95: {  	_ =	strace s4  }
0x96: {  	s4 =	sld [smem:$0x3FFD];
	_ =	sdelay $0x3  }
0x97: {  	_ =	strace s4  }
0x98: {  	_ =	strace $0x8FFFFFFF  }
0x99: {  	s19 =	sld [smem:$0x3FDB];
	_ =	sdelay $0x1  }
0x9a: {  	s5 =	simm.s32 $_scs_section_size  }
0x9b: {  	s6 =	simm.s32 $_size__tile_overlayer_lowered;
	s7 =	simm.s32 $_tile_overlayer_lowered  }
0x9c: {  	s22 =	simm.s32 $0x1BFF;
	s21 =	sshll.u32 s7, $0x1;
	s4 =	sadd.s32 s5, s19  }
0x9d: {  	s8 =	simm.s32 $0x0;
	s20 =	sshll.u32 s6, $0x1;
	s6 =	sadd.s32 s21, s4  }
0x9e: {  	[timem:s8], [sflag:s22] =	dma.local [hbm:s6], s20  }
0x9f: {  	_ =	swait.ge [sflag:s22], s20  }
0xa0: {  	s5 =	ssub.s32 $0x0, s20;
	[sflag:s22] =	ssyncset.done $0x0  }
0xa1: {  	[sflag:s22] =	ssyncadd.s32 s5;
	_ =	sdelay $0x1  }
0xa2: {  	s23 =	simm.s32 $0x1B8B  }
0xa3: {  	_ =	swait.ge [sflag:s23], $0x1  }
0xa4: {  	[sflag:s23] =	ssyncset.done $0x0  }
0xa5: {  	s25 =	simm.s32 $0x1B8E;
	s24 =	sld [smem:$0x3FFE];
	[sflag:s23] =	ssyncadd.s32 $0xFFFFFFFF  }
0xa6: {  	s26 =	simm.s32 $execute0_lowered;
	[smem:$0x3FD2] =	sst s25  }
0xa7: {  	s6 =	sshll.u32 s26, $0x1;
	_ =	strace $0x80000046;
	[dreg:$0x1] =	wrdreg $0xFFFFFFFF  }
0xa8: {  	s28 =	simm.s32 $_size_execute0_lowered;
	s4 =	sadd.s32 s4, s6;
	[dreg:$0x0] =	wrdreg $0x0  }
0xa9: {  	s6 =	sshll.u32 s28, $0x1;
	[dreg:$0x2] =	wrdreg s4  }
0xaa: {  	[dreg:$0x3] =	wrdreg s6  }
0xab: {  	[dreg:$0x4] =	wrdreg $0xC0  }
0xac: {  	_ =	task [dreg:s8], $0x5FFFF  }
0xad: {  	[dreg:$0x1] =	wrdreg $0xFFFFFFFF  }
0xae: {  	[dreg:$0x0] =	wrdreg $0x60  }
0xaf: {  	[dreg:$0x2] =	wrdreg s18  }
0xb0: {  	[dreg:$0x3] =	wrdreg s24  }
0xb1: {  	[dreg:$0x4] =	wrdreg s2  }
0xb2: {  	[dreg:$0x5] =	wrdreg $0x9  }
0xb3: {  	_ =	task.clear_ibuf [dreg:s8], $0x6FFFF;
	_ =	strace $0x90000046  }
0xb4: {  	s29 =	simm.s32 $0x9;
	_ =	strace $0x80000048  }
0xb5: {  	_ =	swait.ge [sflag:s29], $0x1  }
0xb6: {  	[sflag:s29] =	ssyncadd.s32 $0xFFFFFFFF  }
0xb7: {  	_ =	strace $0x90000048  }
0xb8: {  	_ =	sfence  }
0xb9: {  	s30 =	sld [smem:$0x0];
	_ =	sdelay $0x2  }
0xba: {  	s31 =	sshll.u32 s1, $0xD;
	s1 =	sshrl.u32 s1, $0x2  }
0xbb: {  	s3 =	sand.u32 $0x4000, s31;
	s1 =	sadd.s32 s1, s30  }
0xbc: {  	s0 =	sor.u32 s3, s0;
	s1 =	sshll.u32 s1, $0x11  }
0xbd: {  	s0 =	sor.u32 s1, s0  }
0xbe: {  	s0 =	sadd.s32 $0x8F2B, s0  }
0xbf: {  	[sflag:s0] =	ssyncadd.remote.s32 $0x1  }
0xc0: {  	_ =	sfence.sel $0xFFFF  }
0xc1: {  	[dreg:$0x0] =	wrdreg $0xFFFFFFFF;
	(pc) =	sbr.abs _section_cstart, $3  }
0xc2: {  	[dreg:$0x1] =	wrdreg $0xFFFFFFFF  }
0xc3: {  	_ =	task.clear_ibuf [dreg:s8], $0x2FFFF;
	_ =	strace $0x9FFFFFFF  }
0xc4: {  	(tm) =	ssettm $0x7FFFFFFF  }
0xc5: {  	_ =	shalt  }
tec
execute0_lowered:
.L_overlay_start_1:
0x0: {  	(tag) =	ssettag $0x1  }
0x1: {  	s5 =	rddreg [dreg:$0x0]  }
0x2: {  	s6 =	rddreg [dreg:$0x1];
	s1 =	srdreg.scid  }
0x3: {  	s0 =	stileid.u32;
	s2 =	rddreg [dreg:$0x2]  }
0x4: {  	s3 =	simm.s32 $0x0;
	s10 =	simm.s32 $0x4B00;
	s11 =	simm.s32 $0x2500  }
0x5: {  	s12 =	simm.s32 $0x0;
	s4 =	sand.u32 $0x1, s1;
	s7 =	sshll.u32 s0, $0x1  }
0x6: {  	s1 =	rddreg [dreg:$0x3];
	s7 =	sor.u32 s4, s7;
	s8 =	ssub.s32 $0x2, s4  }
0x7: {  	[smem:$0x7FF] =	sst s3;
	s7 =	smul.u32 $0x498, s7;
	s9 =	sshrl.u32 s8, $0x1  }
0x8: {  	_ =	strace $0x80000047;
	s4 =	sadd.s32 $0x800, s6;
	s8 =	ssub.s32 s8, s9  }
0x9: {  	s9 =	simm.s32 $0x1;
	s6 =	sadd.s32 s7, s6;
	s5 =	sadd.s32 s5, s7  }
0xa: {  	s7 =	smax.u32 s8, $0x1;
	s8 =	simm.s32 $0x4A00;
	s6 =	sadd.s32 $0xA00, s6  }
.LBB2_1:
0xb: {  	[tilespmem:s8], [sflag:$0x1] =	stream.linear.gather [hbm4b:s2+s3], $0x100, $0x38;
	[tilespmem:$0x4D00] =	vst v63  }
0xc: {  	_ =	swait.ge [sflag:s9], $0x100  }
0xd: {  	[sflag:s9] =	ssyncset.done $0x0  }
0xe: {  	[sflag:s9] =	ssyncadd.s32 $0xFFFFFF00  }
0xf: {  	[tilespmem:s10], [sflag:$0x1] =	stream.linear.gather [hbm4b:s4+s3], $0x180, $0x38;
	[tilespmem:$0x4D00] =	vst v63  }
0x10: {  	_ =	swait.ge [sflag:s9], $0x180  }
0x11: {  	[sflag:s9] =	ssyncset.done $0x0  }
0x12: {  	[sflag:s9] =	ssyncadd.s32 $0xFFFFFE80  }
0x13: {  	[tilespmem:s3], [sflag:$0x1] =	stream.linear.gather [hbm4b:s5+s3], $0x24C0, $0x38;
	[tilespmem:$0x4D00] =	vst v63  }
0x14: {  	_ =	swait.ge [sflag:s9], $0x24C0  }
0x15: {  	[sflag:s9] =	ssyncset.done $0x0  }
0x16: {  	[sflag:s9] =	ssyncadd.s32 $0xFFFFDB40  }
0x17: {  	s15 =	simm.s32 $0x0;
	v0 =	vld [tilespmem:$0x4B00]  }
0x18: {  	v2 =	vld [tilespmem:s15+$0x0];
	_ =	sdelay $0x1  }
0x19: {  	v1 =	vld [tilespmem:$0x4B80];
	_ =	sdelay $0x2  }
0x1a: {  	v2 =	vmul.f32 v2, v0;
	_ =	sdelay $0x1  }
0x1b: {  	v2 =	vadd.f32 v2, v1  }
0x1c: {  	s13 =	simm.s32 $0x10  }
0x1d: {  	v3 =	vld [tilespmem:s13+$0x0];
	v2 =	vmax.f32 v2, $0.0e+00  }
0x1e: {  	v2 =	vmin.f32 v2, $2.550000000e+02  }
0x1f: {  	v2 =	vadd.f32 $5.000000000e-01, v2;
	_ =	sdelay $0x1  }
0x20: {  	v2 =	vtrunc.f32 v2  }
0x21: {  	v4 =	vcvt.f32.s32 v2;
	v2 =	vmul.f32 v3, v0;
	_ =	sdelay $0x1  }
0x22: {  	v3 =	vadd.f32 v2, v1  }
0x23: {  	s14 =	simm.s32 $0x20  }
0x24: {  	v5 =	vld [tilespmem:s14+$0x0];
	v3 =	vmax.f32 v3, $0.0e+00  }
0x25: {  	v3 =	vmin.f32 v3, $2.550000000e+02  }
0x26: {  	v2 =	vld [tilespmem:$0x4C00];
	v3 =	vadd.f32 $5.000000000e-01, v3  }
0x27: {  	v6 =	vld.idx.msk [tilespmem:v4+s8+$0x0], $0xffff  }
0x28: {  	v3 =	vtrunc.f32 v3  }
0x29: {  	v4 =	vmul.f32 v5, v0;
	v3 =	vcvt.f32.s32 v3;
	_ =	sdelay $0x1  }
0x2a: {  	v4 =	vadd.f32 v4, v1  }
0x2b: {  	s16 =	simm.s32 $0x30;
	s17 =	simm.s32 $0x100;
	v5 =	vmul.f32 v6, v2  }
.LBB2_2:
0x2c: {  	p0 =	sne.s32 s17, $0x92C0;
	v6 =	vld [tilespmem:s16+$0x0];
	v4 =	vmax.f32 v4, $0.0e+00  }
0x2d: {  	v4 =	vmin.f32 v4, $2.550000000e+02;
	[tilespmem:s15+$0x2500] =	vst v5;
	s15 =	smov.u32 s13;
	s13 =	smov.u32 s14;
	s14 =	smov.u32 s16  }
0x2e: {  	v4 =	vadd.f32 $5.000000000e-01, v4;
	v5 =	vld.idx.msk [tilespmem:v3+s8+$0x0], $0xffff;
	_ =	sdelay $0x1  }
.Ltmp0:
0x2f: {  	v3 =	vtrunc.f32 v4;
	(pc) =	sbr.rel @p0 .LBB2_2-.Ltmp0, $3  }
0x30: {  	v4 =	vmul.f32 v6, v0;
	v3 =	vcvt.f32.s32 v3;
	_ =	sdelay $0x1  }
0x31: {  	v4 =	vadd.f32 v4, v1  }
0x32: {  	s16 =	sshra.s32 s17, $0x2;
	s17 =	sadd.s32 $0x40, s17;
	v5 =	vmul.f32 v5, v2  }
0x33: {  	v6 =	vld [tilespmem:s16+$0x0]  }
0x34: {  	v4 =	vmax.f32 v4, $0.0e+00  }
0x35: {  	v4 =	vmin.f32 v4, $2.550000000e+02  }
0x36: {  	[tilespmem:s15+$0x2500] =	vst v5;
	v4 =	vadd.f32 $5.000000000e-01, v4  }
0x37: {  	v3 =	vld.idx.msk [tilespmem:v3+s8+$0x0], $0xffff  }
0x38: {  	v4 =	vtrunc.f32 v4;
	v0 =	vmul.f32 v6, v0  }
0x39: {  	v4 =	vcvt.f32.s32 v4  }
0x3a: {  	v0 =	vadd.f32 v0, v1;
	_ =	sdelay $0x1  }
0x3b: {  	v63 =	vmul.f32 v3, v2;
	v0 =	vmax.f32 v0, $0.0e+00  }
0x3c: {  	v0 =	vmin.f32 v0, $2.550000000e+02  }
0x3d: {  	[tilespmem:s13+$0x2500] =	vst v63;
	v0 =	vadd.f32 $5.000000000e-01, v0  }
0x3e: {  	v1 =	vld.idx.msk [tilespmem:v4+s8+$0x0], $0xffff  }
0x3f: {  	v0 =	vtrunc.f32 v0  }
0x40: {  	v0 =	vcvt.f32.s32 v0;
	_ =	sdelay $0x2  }
0x41: {  	v1 =	vmul.f32 v1, v2;
	_ =	sdelay $0x1  }
0x42: {  	[tilespmem:s14+$0x2500] =	vst v1  }
0x43: {  	v0 =	vld.idx.msk [tilespmem:v0+s8+$0x0], $0xffff;
	_ =	sdelay $0x4  }
0x44: {  	s12 =	sadd.s32 $0x1, s12;
	v0 =	vmul.f32 v0, v2  }
0x45: {  	p0 =	sne.s32 s12, s7  }
.Ltmp1:
0x46: {  	[tilespmem:s16+$0x2500] =	vst v0;
	(pc) =	sbr.rel @p0 .LBB2_1-.Ltmp1, $4  }
0x47: {  	[hbm4b:s6+s3] =	stream.linear.scatter [tilespmem:s11], [sflag:$0x1], $0x24C0, $0x38;
	[tilespmem:$0x4D00] =	vst v63  }
0x48: {  	_ =	swait.ge [sflag:s9], $0x24C0  }
0x49: {  	[sflag:s9] =	ssyncset.done $0x0  }
0x4a: {  	[sflag:s9] =	ssyncadd.s32 $0xFFFFDB40  }
0x4b: {  	_ =	sfence.sel $0x180000  }
0x4c: {  	[bflag:$0x0] =	sbarrier.arrive $0xFFFF  }
0x4d: {  	p0 =	sne.s32 s0, $0x0;
	_ =	strace $0x90000047  }
0x4e: {  	s0 =	sadd.s32 @!p0 $0x100000, s1;
	[bflag:$0x2] =	sbarrier.arrive $0xFFFF  }
0x4f: {  	[sflag:s0] =	ssyncadd.tile.s32 @!p0 $0x1;
	_ =	shalt  }
.Lfunc_end2:
_tile_overlayer_lowered:
.L_overlay_start_2:
0x50: {  	(tag) =	ssettag $0x2  }
0x51: {  	s0 =	rddreg [dreg:$0x0];
	s2 =	stileid.u32  }
0x52: {  	s1 =	rddreg [dreg:$0x1];
	p0 =	sne.s32 s2, $0x0  }
0x53: {  	s3 =	rddreg [dreg:$0x2];
	[bflag:$0x3] =	sbarrier.arrive $0xFFFF;
	s2 =	simm.s32 @!p0 $0x1C01  }
0x54: {  	[timem:s3], [sflag:s2] =	dma.local @!p0 [hbm:s0], s1  }
0x55: {  	s0 =	simm.s32 @!p0 $0x1  }
0x56: {  	_ =	swait.ge @!p0 [sflag:s0], s1  }
0x57: {  	s1 =	ssub.s32 @!p0 $0x0, s1;
	[sflag:s0] =	ssyncset.done @!p0 $0x0  }
0x58: {  	[sflag:s0] =	ssyncadd.s32 @!p0 s1  }
0x59: {  	[bflag:$0x3] =	sbarrier.arrive $0xFFFF  }
0x5a: {  	_ =	shalt  }

</sc_bundles>
